<compile_context>
chip_gen: v7x
topology: tpu7x:2x2x1
jax: 0.10.2.dev20260603
libtpu: 0.0.44.dev20260713+nightly
codegen_flags: <defaults>
</compile_context>

<pallas_src>
import functools

import jax
import jax.numpy as jnp
from jax import lax
from jax.experimental import pallas as pl
from jax.experimental.pallas import tpu as pltpu
from jax.experimental.pallas import tpu_sc as plsc

_NUM_CORES = 2
_NUM_SUBCORES = 16
_NW = _NUM_CORES * _NUM_SUBCORES

_BATCH = 4096
_DIM = 384
_B_PER_W = _BATCH // _NW


@functools.partial(
    pl.kernel,
    mesh=plsc.VectorSubcoreMesh(core_axis_name="c", subcore_axis_name="s"),
    out_type=jax.ShapeDtypeStruct((_BATCH, _DIM), jnp.float32),
    scratch_types=[
        pltpu.VMEM((_B_PER_W,), jnp.int32),
        pltpu.VMEM((_B_PER_W, _DIM), jnp.float32),
        pltpu.SemaphoreType.DMA,
    ],
)
def _sc_gather(idx_hbm, table_hbm, out_hbm, idx_v, rows_v, sem):
    wid = lax.axis_index("s") * _NUM_CORES + lax.axis_index("c")
    base = wid * _B_PER_W
    pltpu.sync_copy(idx_hbm.at[pl.ds(base, _B_PER_W)], idx_v)
    pltpu.async_copy(table_hbm.at[idx_v], rows_v, sem).wait()
    pltpu.sync_copy(rows_v, out_hbm.at[pl.ds(base, _B_PER_W)])


def kernel(sample, lenghts):
    head = sample[:, 0]
    return _sc_gather(head, lenghts)

# --- scband reference (transcript-rebuilt; emitter-appended) ---
"""Pipeline reference for scband-kgemodel-73272142070420 (READ-ONLY COPY).

The authoritative reference and input builder live on the scoring server;
editing this copy changes nothing except your own understanding.
"""

import jax, jax.numpy as jnp
import numpy as np

NENTITY = 100000
HIDDEN_DIM = 128
ENTITY_DIM = HIDDEN_DIM  # double_entity_embedding=False
DIM_MAX = min(ENTITY_DIM * 3, 3000)  # 384, per set_node_features
BATCH = 4096
MAX_GRAPH_DIAMETER = 30


def setup_inputs(seed: int = 0) -> dict:
    key = jax.random.key(seed)
    k1, k2 = jax.random.split(key, 2)
    # batch of (head, relation, tail) triples; head/tail indices < nentity
    sample = jax.random.randint(k1, (BATCH, 3), 0, NENTITY, dtype=jnp.int32)
    # self.lenghts: per-entity shortest-path distance features, shape [nentity, dim_max]
    lenghts = jax.random.uniform(k2, (NENTITY, DIM_MAX), dtype=jnp.float32,
                                 minval=0.0, maxval=float(MAX_GRAPH_DIAMETER))
    return {"sample": sample, "lenghts": lenghts}


def reference(sample, lenghts):
    # forward(sample, mode='single')
    head_part = sample[:, 0]
    tail_part = sample[:, 2]
    # distances_h = self.lenghts[head_part]  -- row gather from the distance table
    distances_h = jnp.take(lenghts, head_part, axis=0)
    return distances_h

if __name__ == "__main__":
    import jax
    _d = setup_inputs()
    print(jax.jit(kernel)(*tuple(_d.values())))

</pallas_src>

<mosaic_0001>
#map = affine_map<(d0, d1) -> (0)>
#map1 = affine_map<(d0, d1) -> (0, 0)>
module attributes {stable_mosaic.version = 14 : i64} {
  func.func @_sc_gather(%arg0: i32, %arg1: i32, %arg2: memref<4096xi32, #tpu.memory_space<hbm>>, %arg3: memref<100000x384xf32, #tpu.memory_space<hbm>>, %arg4: memref<4096x384xf32, #tpu.memory_space<hbm>>, %arg5: memref<128xi32, #tpu.memory_space<vmem>>, %arg6: memref<128x384xf32, #tpu.memory_space<vmem>>, %arg7: memref<!tpu.dma_semaphore, #tpu.memory_space<semaphore_mem>>) attributes {dimension_semantics = [#tpu.dimension_semantics<core_parallel>, #tpu.dimension_semantics<subcore_parallel>], iteration_bounds = array<i64: 2, 16>, scalar_prefetch = 0 : i64, scratch_operands = 3 : i64, tpu.core_type = #tpu.core_type<sc_vector_subcore>, window_params = [{transform_indices = #map}, {transform_indices = #map1}, {transform_indices = #map1}]} {
    %mul3A = arith.constant 2 : i32
    %mul3A_0 = arith.muli %arg1, %mul3A : i32
    %add3A = arith.addi %mul3A_0, %arg0 : i32
    %mul3A_1 = arith.constant 128 : i32
    %mul3A_2 = arith.muli %add3A, %mul3A_1 : i32
    "tpu.region"() ({
      %run_scoped3A = tpu.sem_alloc : memref<!tpu.dma_semaphore, #tpu.memory_space<semaphore_mem>>
      %dma_start3A_7 = tpu.memref_slice %arg2[%mul3A_2] : memref<4096xi32, #tpu.memory_space<hbm>> -> memref<128xi32, #tpu.memory_space<hbm>>
      %dma_start3A_8 = tpu.memref_slice %arg2[%mul3A_2] : memref<4096xi32, #tpu.memory_space<hbm>> -> memref<128xi32, #tpu.memory_space<hbm>>
      tpu.enqueue_dma source(%dma_start3A_8 : memref<128xi32, #tpu.memory_space<hbm>>) target(%arg5 : memref<128xi32, #tpu.memory_space<vmem>>) target_semaphore(%run_scoped3A : memref<!tpu.dma_semaphore, #tpu.memory_space<semaphore_mem>>)
      %dma_wait3A_9 = tpu.memref_slice %arg2[%mul3A_2] : memref<4096xi32, #tpu.memory_space<hbm>> -> memref<128xi32, #tpu.memory_space<hbm>>
      %dma_wait3A_10 = tpu.memref_slice %arg2[%mul3A_2] : memref<4096xi32, #tpu.memory_space<hbm>> -> memref<128xi32, #tpu.memory_space<hbm>>
      tpu.wait_dma2 semaphore(%run_scoped3A : memref<!tpu.dma_semaphore, #tpu.memory_space<semaphore_mem>>) src(%dma_wait3A_10 : memref<128xi32, #tpu.memory_space<hbm>>) dst(%arg5 : memref<128xi32, #tpu.memory_space<vmem>>)
      tpu.yield
    }) : () -> ()
    %dma_start3A = arith.constant 0 : i32
    %dma_start3A_3 = arith.constant 0 : i32
    %dma_start3A_4 = tpu.memref_slice %arg3[%dma_start3A, %dma_start3A_3] : memref<100000x384xf32, #tpu.memory_space<hbm>> -> memref<100000x384xf32, #tpu.memory_space<hbm>>
    tpu.enqueue_indirect_dma source(%dma_start3A_4 : memref<100000x384xf32, #tpu.memory_space<hbm>>) target(%arg6 : memref<128x384xf32, #tpu.memory_space<vmem>>) offsets(%arg5 : memref<128xi32, #tpu.memory_space<vmem>>) semaphore(%arg7 : memref<!tpu.dma_semaphore, #tpu.memory_space<semaphore_mem>>)
    %dma_wait3A = arith.constant 0 : i32
    %dma_wait3A_5 = arith.constant 0 : i32
    %dma_wait3A_6 = tpu.memref_slice %arg3[%dma_wait3A, %dma_wait3A_5] : memref<100000x384xf32, #tpu.memory_space<hbm>> -> memref<100000x384xf32, #tpu.memory_space<hbm>>
    tpu.wait_indirect_dma semaphore(%arg7 : memref<!tpu.dma_semaphore, #tpu.memory_space<semaphore_mem>>) src(%dma_wait3A_6 : memref<100000x384xf32, #tpu.memory_space<hbm>>) dst(%arg6 : memref<128x384xf32, #tpu.memory_space<vmem>>)
    "tpu.region"() ({
      %run_scoped3A = tpu.sem_alloc : memref<!tpu.dma_semaphore, #tpu.memory_space<semaphore_mem>>
      %dma_start3A_7 = arith.constant 0 : i32
      %dma_start3A_8 = tpu.memref_slice %arg4[%mul3A_2, %dma_start3A_7] : memref<4096x384xf32, #tpu.memory_space<hbm>> -> memref<128x384xf32, #tpu.memory_space<hbm>>
      %dma_start3A_9 = arith.constant 0 : i32
      %dma_start3A_10 = tpu.memref_slice %arg4[%mul3A_2, %dma_start3A_9] : memref<4096x384xf32, #tpu.memory_space<hbm>> -> memref<128x384xf32, #tpu.memory_space<hbm>>
      tpu.enqueue_dma source(%arg6 : memref<128x384xf32, #tpu.memory_space<vmem>>) target(%dma_start3A_10 : memref<128x384xf32, #tpu.memory_space<hbm>>) target_semaphore(%run_scoped3A : memref<!tpu.dma_semaphore, #tpu.memory_space<semaphore_mem>>)
      %dma_wait3A_11 = arith.constant 0 : i32
      %dma_wait3A_12 = tpu.memref_slice %arg4[%mul3A_2, %dma_wait3A_11] : memref<4096x384xf32, #tpu.memory_space<hbm>> -> memref<128x384xf32, #tpu.memory_space<hbm>>
      %dma_wait3A_13 = arith.constant 0 : i32
      %dma_wait3A_14 = tpu.memref_slice %arg4[%mul3A_2, %dma_wait3A_13] : memref<4096x384xf32, #tpu.memory_space<hbm>> -> memref<128x384xf32, #tpu.memory_space<hbm>>
      tpu.wait_dma2 semaphore(%run_scoped3A : memref<!tpu.dma_semaphore, #tpu.memory_space<semaphore_mem>>) src(%arg6 : memref<128x384xf32, #tpu.memory_space<vmem>>) dst(%dma_wait3A_14 : memref<128x384xf32, #tpu.memory_space<hbm>>)
      tpu.yield
    }) : () -> ()
    return
  }
}

</mosaic_0001>

<sc_bundles>
// kernel: kernel.3.cloned.1.call-start
scs
__scs_entry_jumppad:
0x0: {  	(pc) =	sbr.rel $0x88, $3  }
0x1: {  	(tag) =	ssettag $0x0;
	lr =	simm.s32 $0x1  }
0x2: {  	[smem:$0x3F9F] =	sst lr;
	_ =	strace $0xD0000000  }
0x3: {  	_ = 	snop  }
0x4: {  	_ = 	snop  }
0x5: {  	_ = 	snop  }
0x6: {  	_ = 	snop  }
0x7: {  	_ = 	snop  }
__scs_overlays_trampoline_lowered:
0x8: {  	[smem:$0x3FAE] =	sst s0  }
0x9: {  	[smem:$0x3FAF] =	sst s1  }
0xa: {  	[smem:$0x3FB0] =	sst s2  }
0xb: {  	[smem:$0x3FB1] =	sst s3  }
0xc: {  	[smem:$0x3FB2] =	sst s4  }
0xd: {  	[smem:$0x3FB3] =	sst s5  }
0xe: {  	[smem:$0x3FB4] =	sst s6  }
0xf: {  	[smem:$0x3FB5] =	sst s7  }
0x10: {  	[smem:$0x3FB6] =	sst s8  }
0x11: {  	[smem:$0x3FB7] =	sst s9;
	s0 =	simm.s32 @!p0 $0x0  }
0x12: {  	s1 =	sld [smem:$0x3F9D];
	s0 =	simm.s32 @p0 $0x1  }
0x13: {  	[smem:$0x3FB8] =	sst s0;
	s0 =	simm.s32 @!p1 $0x0  }
0x14: {  	s2 =	sld [smem:$0x3F9C];
	s0 =	simm.s32 @p1 $0x1  }
0x15: {  	[smem:$0x3FB9] =	sst s0;
	s0 =	simm.s32 @!p2 $0x0  }
0x16: {  	s3 =	sld [smem:$0x3FDB];
	s0 =	simm.s32 @p2 $0x1  }
0x17: {  	s4 =	simm.s32 $0x1BF5;
	[smem:$0x3FBB] =	sst s0  }
0x18: {  	s0 =	sld [smem:$0x3F9E];
	_ =	swait.ge [sflag:s4], $0x0  }
0x19: {  	s7 =	sld [smem:$0x3F9F]  }
0x1a: {  	s8 =	sadd.s32 $0xFFFFE003, lr  }
0x1b: {  	s9 =	sadd.s32 $0xFFFFFEF7, lr;
	s5 =	simm.s32 $0xFFFFFFFF;
	p2 =	slt.u32 s8, $0xFFFFF086  }
0x1c: {  	p1 =	slt.u32 s9, $0xF7A;
	s5 =	simm.s32 @!p2 $0x0  }
0x1d: {  	s5 =	simm.s32 @p1 $0x1;
	p0 =	seq.s32 s7, s2  }
0x1e: {  	s7 =	smul.u32 @!p0 $0xF7A, s2;
	p2 =	seq.s32 @!p0 s5, $0x0  }
0x1f: {  	s9 =	smul.u32 $0xF7A, s1;
	s8 =	simm.s32 @!p0 $0x1BF5;
	p2 =	por !p2, p0  }
0x20: {  	[sflag:s8] =	ssyncset.s32 @!p0 $0xFFFFF086;
	s6 =	sadd.s32 @!p0 s3, s7;
	s7 =	simm.s32 @!p0 $0x108  }
0x21: {  	s3 =	sadd.s32 s3, s9;
	s6 =	sadd.s32 @!p0 $0x88, s6;
	s7 =	simm.s32 @p2 $0x1082  }
0x22: {  	[simem:s7], [sflag:s8] =	dma.local @!p0 [hbm:s6], $0xF7A  }
0x23: {  	s9 =	sor.u32 $0xD0000000, s2;
	s6 =	simm.s32 $0x108;
	_ =	swait.ge @!p0 [sflag:s8], $0x0  }
0x24: {  	s3 =	sadd.s32 $0x88, s3;
	s6 =	simm.s32 @!p1 $0x1082;
	[sflag:s4] =	ssyncset.s32 $0xFFFFF086  }
0x25: {  	[simem:s6], [sflag:s4] =	dma.local [hbm:s3], $0xF7A  }
0x26: {  	[smem:$0x3F9F] =	sst s1;
	(tag) =	ssettag s2;
	_ =	strace s9  }
0x27: {  	s1 =	sld [smem:$0x3FAF]  }
0x28: {  	s2 =	sld [smem:$0x3FB0]  }
0x29: {  	s4 =	sld [smem:$0x3FB2]  }
0x2a: {  	p0 =	seq.s32 s5, $0x0;
	s5 =	sld [smem:$0x3FB3]  }
0x2b: {  	s6 =	sld [smem:$0x3FB4]  }
0x2c: {  	s7 =	sld [smem:$0x3FB5]  }
0x2d: {  	s3 =	simm.s32 $0x108;
	s8 =	sld [smem:$0x3FB6]  }
0x2e: {  	s3 =	simm.s32 @!p0 $0x1082;
	s9 =	sld [smem:$0x3FB7]  }
0x2f: {  	lr =	sadd.s32 s0, s3;
	s0 =	sld [smem:$0x3FAE]  }
0x30: {  	s3 =	sld [smem:$0x3FB1]  }
0x31: {  	[smem:$0x3FBA] =	sst s10  }
0x32: {  	s10 =	sld [smem:$0x3FB8];
	_ =	sdelay $0x3  }
0x33: {  	p0 =	seq.s32 s10, $0x1;
	s10 =	sld [smem:$0x3FBA];
	_ =	sdelay $0x3  }
0x34: {  	[smem:$0x3FBA] =	sst s10  }
0x35: {  	s10 =	sld [smem:$0x3FB9];
	_ =	sdelay $0x3  }
0x36: {  	p1 =	seq.s32 s10, $0x1;
	s10 =	sld [smem:$0x3FBA];
	_ =	sdelay $0x3  }
0x37: {  	[smem:$0x3FBA] =	sst s10  }
0x38: {  	s10 =	sld [smem:$0x3FBB]  }
0x39: {  	_ = 	snop;
	(pc) =	sbr.ind lr, $3  }
0x3a: {  	_ = 	snop  }
0x3b: {  	_ = 	snop  }
0x3c: {  	p2 =	seq.s32 s10, $0x1;
	s10 =	sld [smem:$0x3FBA]  }
0x3d: {  	_ =	shalt  }
0x3e: {  	_ =	shalt  }
0x3f: {  	_ =	shalt  }
0x40: {  	_ =	shalt  }
0x41: {  	_ =	shalt  }
0x42: {  	_ =	shalt  }
0x43: {  	_ =	shalt  }
0x44: {  	_ =	shalt  }
0x45: {  	_ =	shalt  }
0x46: {  	_ =	shalt  }
0x47: {  	_ =	shalt  }
0x48: {  	_ =	shalt  }
0x49: {  	_ =	shalt  }
0x4a: {  	_ =	shalt  }
0x4b: {  	_ =	shalt  }
0x4c: {  	_ =	shalt  }
0x4d: {  	_ =	shalt  }
0x4e: {  	_ =	shalt  }
0x4f: {  	_ =	shalt  }
0x50: {  	_ =	shalt  }
0x51: {  	_ =	shalt  }
0x52: {  	_ =	shalt  }
0x53: {  	_ =	shalt  }
0x54: {  	_ =	shalt  }
0x55: {  	_ =	shalt  }
0x56: {  	_ =	shalt  }
0x57: {  	_ =	shalt  }
0x58: {  	_ =	shalt  }
0x59: {  	_ =	shalt  }
0x5a: {  	_ =	shalt  }
0x5b: {  	_ =	shalt  }
0x5c: {  	_ =	shalt  }
0x5d: {  	_ =	shalt  }
0x5e: {  	_ =	shalt  }
0x5f: {  	_ =	shalt  }
0x60: {  	_ =	shalt  }
0x61: {  	_ =	shalt  }
0x62: {  	_ =	shalt  }
0x63: {  	_ =	shalt  }
0x64: {  	_ =	shalt  }
0x65: {  	_ =	shalt  }
0x66: {  	_ =	shalt  }
0x67: {  	_ =	shalt  }
0x68: {  	_ =	shalt  }
0x69: {  	_ =	shalt  }
0x6a: {  	_ =	shalt  }
0x6b: {  	_ =	shalt  }
0x6c: {  	_ =	shalt  }
0x6d: {  	_ =	shalt  }
0x6e: {  	_ =	shalt  }
0x6f: {  	_ =	shalt  }
0x70: {  	_ =	shalt  }
0x71: {  	_ =	shalt  }
0x72: {  	_ =	shalt  }
0x73: {  	_ =	shalt  }
0x74: {  	_ =	shalt  }
0x75: {  	_ =	shalt  }
0x76: {  	_ =	shalt  }
0x77: {  	_ =	shalt  }
0x78: {  	_ =	shalt  }
0x79: {  	_ =	shalt  }
0x7a: {  	_ =	shalt  }
0x7b: {  	_ =	shalt  }
0x7c: {  	_ =	shalt  }
0x7d: {  	_ =	shalt  }
0x7e: {  	_ =	shalt  }
0x7f: {  	_ =	shalt  }
0x80: {  	_ =	shalt  }
0x81: {  	_ =	shalt  }
0x82: {  	_ =	shalt  }
0x83: {  	_ =	shalt  }
0x84: {  	_ =	shalt  }
0x85: {  	_ =	shalt  }
0x86: {  	_ =	shalt  }
0x87: {  	_ =	shalt  }
.Lfunc_end0:
.L_simem_size_0:
called_computation_lowered:
.L_overlay_start_0:
0x88: {  	s2 =	sld [smem:$0x3FD9]  }
0x89: {  	s3 =	sld [smem:$0x3FFE];
	_ =	sdelay $0x1  }
0x8a: {  	s1 =	srdreg.scid  }
0x8b: {  	s0 =	sand.u32 $0x1, s1  }
0x8c: {  	s17 =	sshll.u32 s0, $0xA;
	s2 =	sadd.s32 s3, s2  }
0x8d: {  	s2 =	sadd.s32 s2, s17  }
0x8e: {  	[smem:$0x3FC6] =	sst s2  }
0x8f: {  	_ = 	snop  }
0x90: {  	s2 =	sld [smem:$0x3FC8]  }
0x91: {  	s18 =	sld [smem:$0x3FD0];
	(tm) =	ssettm $0x1  }
0x92: {  	s4 =	sld [smem:$0x3FFB];
	_ =	sdelay $0x3  }
0x93: {  	_ =	strace s4  }
0x94: {  	s4 =	sld [smem:$0x3FFC];
	_ =	sdelay $0x3  }
0x95: {  	_ =	strace s4  }
0x96: {  	s4 =	sld [smem:$0x3FFD];
	_ =	sdelay $0x3  }
0x97: {  	_ =	strace s4  }
0x98: {  	_ =	strace $0x8FFFFFFF  }
0x99: {  	s19 =	sld [smem:$0x3FDB];
	_ =	sdelay $0x1  }
0x9a: {  	s5 =	simm.s32 $_scs_section_size  }
0x9b: {  	s6 =	simm.s32 $_size__tile_overlayer_lowered;
	s7 =	simm.s32 $_tile_overlayer_lowered  }
0x9c: {  	s22 =	simm.s32 $0x1BFF;
	s21 =	sshll.u32 s7, $0x1;
	s4 =	sadd.s32 s5, s19  }
0x9d: {  	s8 =	simm.s32 $0x0;
	s20 =	sshll.u32 s6, $0x1;
	s6 =	sadd.s32 s21, s4  }
0x9e: {  	[timem:s8], [sflag:s22] =	dma.local [hbm:s6], s20  }
0x9f: {  	_ =	swait.ge [sflag:s22], s20  }
0xa0: {  	s5 =	ssub.s32 $0x0, s20;
	[sflag:s22] =	ssyncset.done $0x0  }
0xa1: {  	[sflag:s22] =	ssyncadd.s32 s5;
	_ =	sdelay $0x1  }
0xa2: {  	s23 =	simm.s32 $0x1B8B  }
0xa3: {  	_ =	swait.ge [sflag:s23], $0x1  }
0xa4: {  	[sflag:s23] =	ssyncset.done $0x0  }
0xa5: {  	s25 =	simm.s32 $0x1B8E;
	s24 =	sld [smem:$0x3FFE];
	[sflag:s23] =	ssyncadd.s32 $0xFFFFFFFF  }
0xa6: {  	s26 =	simm.s32 $execute0_lowered;
	[smem:$0x3FD2] =	sst s25  }
0xa7: {  	s6 =	sshll.u32 s26, $0x1;
	_ =	strace $0x80000046;
	[dreg:$0x1] =	wrdreg $0xFFFFFFFF  }
0xa8: {  	s28 =	simm.s32 $_size_execute0_lowered;
	s4 =	sadd.s32 s4, s6;
	[dreg:$0x0] =	wrdreg $0x0  }
0xa9: {  	s6 =	sshll.u32 s28, $0x1;
	[dreg:$0x2] =	wrdreg s4  }
0xaa: {  	[dreg:$0x3] =	wrdreg s6  }
0xab: {  	[dreg:$0x4] =	wrdreg $0xC0  }
0xac: {  	_ =	task [dreg:s8], $0x5FFFF  }
0xad: {  	[dreg:$0x1] =	wrdreg $0xFFFFFFFF  }
0xae: {  	[dreg:$0x0] =	wrdreg $0x60  }
0xaf: {  	[dreg:$0x2] =	wrdreg s24  }
0xb0: {  	[dreg:$0x3] =	wrdreg s2  }
0xb1: {  	[dreg:$0x4] =	wrdreg s18  }
0xb2: {  	[dreg:$0x5] =	wrdreg $0x9  }
0xb3: {  	_ =	task.clear_ibuf [dreg:s8], $0x6FFFF;
	_ =	strace $0x90000046  }
0xb4: {  	s29 =	simm.s32 $0x9;
	_ =	strace $0x80000048  }
0xb5: {  	_ =	swait.ge [sflag:s29], $0x1  }
0xb6: {  	[sflag:s29] =	ssyncadd.s32 $0xFFFFFFFF  }
0xb7: {  	_ =	strace $0x90000048  }
0xb8: {  	_ =	sfence  }
0xb9: {  	s30 =	sld [smem:$0x0];
	_ =	sdelay $0x2  }
0xba: {  	s31 =	sshll.u32 s1, $0xD;
	s1 =	sshrl.u32 s1, $0x2  }
0xbb: {  	s3 =	sand.u32 $0x4000, s31;
	s1 =	sadd.s32 s1, s30  }
0xbc: {  	s0 =	sor.u32 s3, s0;
	s1 =	sshll.u32 s1, $0x11  }
0xbd: {  	s0 =	sor.u32 s1, s0  }
0xbe: {  	s0 =	sadd.s32 $0x8F2B, s0  }
0xbf: {  	[sflag:s0] =	ssyncadd.remote.s32 $0x1  }
0xc0: {  	_ =	sfence.sel $0xFFFF  }
0xc1: {  	[dreg:$0x0] =	wrdreg $0xFFFFFFFF;
	(pc) =	sbr.abs _section_cstart, $3  }
0xc2: {  	[dreg:$0x1] =	wrdreg $0xFFFFFFFF  }
0xc3: {  	_ =	task.clear_ibuf [dreg:s8], $0x2FFFF;
	_ =	strace $0x9FFFFFFF  }
0xc4: {  	(tm) =	ssettm $0x7FFFFFFF  }
0xc5: {  	_ =	shalt  }
tec
execute0_lowered:
.L_overlay_start_1:
0x0: {  	(tag) =	ssettag $0x1  }
0x1: {  	s1 =	rddreg [dreg:$0x0];
	s3 =	srdreg.scid  }
0x2: {  	s2 =	rddreg [dreg:$0x1];
	s0 =	stileid.u32  }
0x3: {  	s5 =	rddreg [dreg:$0x2];
	s18 =	simm.s32 $0x880;
	s19 =	simm.s32 $0xC80  }
0x4: {  	s20 =	simm.s32 $0x1480;
	s21 =	simm.s32 $0x1880;
	s23 =	simm.s32 $0x2080  }
0x5: {  	s24 =	simm.s32 $0x2480;
	s25 =	simm.s32 $0x2C80;
	s26 =	simm.s32 $0x3080  }
0x6: {  	s9 =	simm.s32 $0x3C80;
	s4 =	sand.u32 $0x1, s3;
	s3 =	simm.s32 $0x0  }
0x7: {  	s10 =	simm.s32 $0x4480;
	s11 =	simm.s32 $0x4880;
	[smem:$0x7FF] =	sst s3  }
0x8: {  	s12 =	simm.s32 $0x5080;
	_ =	strace $0x80000047;
	[dreg:$0x6] =	wrdreg s18  }
0x9: {  	s13 =	simm.s32 $0x5480;
	s14 =	simm.s32 $0x5C80;
	[dreg:$0x7] =	wrdreg s19  }
0xa: {  	s15 =	simm.s32 $0x6080;
	s16 =	simm.s32 $0x6880;
	[dreg:$0x8] =	wrdreg s20  }
0xb: {  	s28 =	simm.s32 $0xA880;
	s29 =	simm.s32 $0xB080;
	[dreg:$0x9] =	wrdreg s21  }
0xc: {  	s30 =	simm.s32 $0xB480;
	s31 =	simm.s32 $0xBC80;
	[dreg:$0xa] =	wrdreg s23  }
0xd: {  	s6 =	sshll.u32 s0, $0x5;
	s7 =	sshll.u32 s4, $0x4;
	[dreg:$0xb] =	wrdreg s24  }
0xe: {  	s4 =	ssub.s32 $0x2, s4;
	s6 =	sor.u32 s7, s6;
	[dreg:$0xc] =	wrdreg s25  }
0xf: {  	s22 =	sshrl.u32 s4, $0x1;
	s7 =	simm.s32 $0x80;
	[dreg:$0xd] =	wrdreg s26  }
0x10: {  	s18 =	simm.s32 $0x7480;
	s19 =	simm.s32 $0x7880;
	s20 =	simm.s32 $0x8080  }
0x11: {  	s21 =	simm.s32 $0x8480;
	s23 =	simm.s32 $0x9080;
	s1 =	sadd.s32 s6, s1  }
0x12: {  	s24 =	simm.s32 $0x9880;
	s6 =	smul.u32 $0x180, s6;
	s1 =	sadd.s32 $0x400, s1  }
0x13: {  	s25 =	simm.s32 $0x9C80;
	s26 =	simm.s32 $0xA480;
	[dreg:$0x4] =	wrdreg s1  }
0x14: {  	v2 =	vlaneseq.u32;
	s17 =	sadd.s32 s5, s6;
	s5 =	ssub.s32 s4, s22;
	s4 =	sadd.s32 $0x100, s2  }
0x15: {  	vm0 =	vmmov $0xffff;
	vm1 =	vmmov $0xff;
	v1 =	vshrl.u32 v2, $0x3;
	s6 =	simm.s32 $0x2;
	s22 =	simm.s32 $0x8C80;
	s1 =	simm.s32 $0x1  }
0x16: {  	v0 =	vand.u32 $0x7, v2;
	v2 =	vor.u32 $0x8, v2;
	v1 =	vmul.u32 $0x8, v1;
	[dreg:$0x5] =	wrdreg s17;
	s5 =	smax.u32 s5, $0x1;
	s17 =	simm.s32 $0x6C80  }
.LBB2_1:
0x17: {  	s0 =	rddreg [dreg:$0x4]  }
0x18: {  	[tilespmem:s3], [sflag:$0x2] =	stream.linear.gather [hbm4b:s0+s3], $0x80, $0x38;
	[tilespmem:$0xC080] =	vst v63  }
0x19: {  	_ =	swait.ge [sflag:s6], $0x80  }
0x1a: {  	[sflag:s6] =	ssyncset.done $0x0  }
0x1b: {  	[sflag:s6] =	ssyncadd.s32 $0xFFFFFF80  }
0x1c: {  	v3 =	vld [tilespmem:$0x0];
	_ =	sdelay $0x4  }
0x1d: {  	v4 =	vshrl.u32 v3, $0x3  }
0x1e: {  	v4 =	vmul.u32 $0x18, v4  }
0x1f: {  	v3 =	vand.u32 $0x7, v3  }
0x20: {  	v3 =	vor.u32 v3, v4  }
0x21: {  	v4 =	vperm.xlane v3, v0;
	_ =	sdelay $0x1  }
0x22: {  	v4 =	vadd.s32 v1, v4;
	_ =	sdelay $0x1  }
0x23: {  	v3 =	vperm.xlane v3, v2;
	_ =	sdelay $0x1  }
0x24: {  	v3 =	vadd.s32 v1, v3  }
0x25: {  	[tilespmem:s7], [sflag:$0x1] =	stream.indirect_vreg.gather [hbm4b:s2+s3], $0x80, v4, vm0, $0xb8;
	[tilespmem:$0xC080] =	vst v63  }
0x26: {  	s0 =	rddreg [dreg:$0x6]  }
0x27: {  	[tilespmem:s0], [sflag:$0x1] =	stream.indirect_vreg.gather [hbm4b:s4+s3], $0x80, v4, vm1, $0xb8;
	[tilespmem:$0xC080] =	vst v63  }
0x28: {  	s8 =	rddreg [dreg:$0x7]  }
0x29: {  	[tilespmem:s8], [sflag:$0x1] =	stream.indirect_vreg.gather [hbm4b:s2+s3], $0x80, v3, vm0, $0xb8;
	[tilespmem:$0xC080] =	vst v63  }
0x2a: {  	s0 =	rddreg [dreg:$0x8]  }
0x2b: {  	[tilespmem:s0], [sflag:$0x1] =	stream.indirect_vreg.gather [hbm4b:s4+s3], $0x80, v3, vm1, $0xb8;
	[tilespmem:$0xC080] =	vst v63  }
0x2c: {  	v3 =	vld [tilespmem:$0x10];
	_ =	sdelay $0x4  }
0x2d: {  	v57 =	vshrl.u32 v3, $0x3  }
0x2e: {  	v4 =	vmul.u32 $0x18, v57  }
0x2f: {  	v3 =	vand.u32 $0x7, v3  }
0x30: {  	v3 =	vor.u32 v3, v4  }
0x31: {  	v4 =	vperm.xlane v3, v0;
	_ =	sdelay $0x1  }
0x32: {  	v4 =	vadd.s32 v1, v4;
	_ =	sdelay $0x1  }
0x33: {  	v3 =	vperm.xlane v3, v2;
	_ =	sdelay $0x1  }
0x34: {  	s0 =	rddreg [dreg:$0x9];
	v3 =	vadd.s32 v1, v3  }
0x35: {  	[tilespmem:s0], [sflag:$0x1] =	stream.indirect_vreg.gather [hbm4b:s2+s3], $0x80, v4, vm0, $0xb8;
	[tilespmem:$0xC080] =	vst v63  }
0x36: {  	s8 =	rddreg [dreg:$0xa]  }
0x37: {  	[tilespmem:s8], [sflag:$0x1] =	stream.indirect_vreg.gather [hbm4b:s4+s3], $0x80, v4, vm1, $0xb8;
	[tilespmem:$0xC080] =	vst v63  }
0x38: {  	s0 =	rddreg [dreg:$0xb]  }
0x39: {  	[tilespmem:s0], [sflag:$0x1] =	stream.indirect_vreg.gather [hbm4b:s2+s3], $0x80, v3, vm0, $0xb8;
	[tilespmem:$0xC080] =	vst v63  }
0x3a: {  	s8 =	rddreg [dreg:$0xc]  }
0x3b: {  	[tilespmem:s8], [sflag:$0x1] =	stream.indirect_vreg.gather [hbm4b:s4+s3], $0x80, v3, vm1, $0xb8;
	[tilespmem:$0xC080] =	vst v63  }
0x3c: {  	v3 =	vld [tilespmem:$0x20];
	_ =	sdelay $0x4  }
0x3d: {  	v58 =	vshrl.u32 v3, $0x3  }
0x3e: {  	v4 =	vmul.u32 $0x18, v58  }
0x3f: {  	v3 =	vand.u32 $0x7, v3  }
0x40: {  	v3 =	vor.u32 v3, v4  }
0x41: {  	v4 =	vperm.xlane v3, v0;
	_ =	sdelay $0x1  }
0x42: {  	v4 =	vadd.s32 v1, v4;
	_ =	sdelay $0x1  }
0x43: {  	v3 =	vperm.xlane v3, v2;
	_ =	sdelay $0x1  }
0x44: {  	s8 =	rddreg [dreg:$0xd];
	v3 =	vadd.s32 v1, v3  }
0x45: {  	[tilespmem:s8], [sflag:$0x1] =	stream.indirect_vreg.gather [hbm4b:s2+s3], $0x80, v4, vm0, $0xb8;
	[tilespmem:$0xC080] =	vst v63  }
0x46: {  	s8 =	simm.s32 $0x3880  }
0x47: {  	[tilespmem:s8], [sflag:$0x1] =	stream.indirect_vreg.gather [hbm4b:s4+s3], $0x80, v4, vm1, $0xb8;
	[tilespmem:$0xC080] =	vst v63  }
0x48: {  	_ = 	snop  }
0x49: {  	[tilespmem:s9], [sflag:$0x1] =	stream.indirect_vreg.gather [hbm4b:s2+s3], $0x80, v3, vm0, $0xb8;
	[tilespmem:$0xC080] =	vst v63  }
0x4a: {  	_ = 	snop  }
0x4b: {  	[tilespmem:s10], [sflag:$0x1] =	stream.indirect_vreg.gather [hbm4b:s4+s3], $0x80, v3, vm1, $0xb8;
	[tilespmem:$0xC080] =	vst v63  }
0x4c: {  	v3 =	vld [tilespmem:$0x30];
	_ =	sdelay $0x4  }
0x4d: {  	v59 =	vshrl.u32 v3, $0x3  }
0x4e: {  	v4 =	vmul.u32 $0x18, v59  }
0x4f: {  	v3 =	vand.u32 $0x7, v3  }
0x50: {  	v3 =	vor.u32 v3, v4  }
0x51: {  	v4 =	vperm.xlane v3, v0;
	_ =	sdelay $0x1  }
0x52: {  	v4 =	vadd.s32 v1, v4;
	_ =	sdelay $0x1  }
0x53: {  	v3 =	vperm.xlane v3, v2;
	_ =	sdelay $0x1  }
0x54: {  	v3 =	vadd.s32 v1, v3  }
0x55: {  	[tilespmem:s11], [sflag:$0x1] =	stream.indirect_vreg.gather [hbm4b:s2+s3], $0x80, v4, vm0, $0xb8;
	[tilespmem:$0xC080] =	vst v63  }
0x56: {  	_ = 	snop  }
0x57: {  	[tilespmem:s12], [sflag:$0x1] =	stream.indirect_vreg.gather [hbm4b:s4+s3], $0x80, v4, vm1, $0xb8;
	[tilespmem:$0xC080] =	vst v63  }
0x58: {  	_ = 	snop  }
0x59: {  	[tilespmem:s13], [sflag:$0x1] =	stream.indirect_vreg.gather [hbm4b:s2+s3], $0x80, v3, vm0, $0xb8;
	[tilespmem:$0xC080] =	vst v63  }
0x5a: {  	_ = 	snop  }
0x5b: {  	[tilespmem:s14], [sflag:$0x1] =	stream.indirect_vreg.gather [hbm4b:s4+s3], $0x80, v3, vm1, $0xb8;
	[tilespmem:$0xC080] =	vst v63  }
0x5c: {  	v3 =	vld [tilespmem:$0x40];
	_ =	sdelay $0x4  }
0x5d: {  	v60 =	vshrl.u32 v3, $0x3  }
0x5e: {  	v4 =	vmul.u32 $0x18, v60  }
0x5f: {  	v3 =	vand.u32 $0x7, v3  }
0x60: {  	v3 =	vor.u32 v3, v4  }
0x61: {  	v4 =	vperm.xlane v3, v0;
	_ =	sdelay $0x1  }
0x62: {  	v4 =	vadd.s32 v1, v4;
	_ =	sdelay $0x1  }
0x63: {  	v3 =	vperm.xlane v3, v2;
	_ =	sdelay $0x1  }
0x64: {  	v3 =	vadd.s32 v1, v3  }
0x65: {  	[tilespmem:s15], [sflag:$0x1] =	stream.indirect_vreg.gather [hbm4b:s2+s3], $0x80, v4, vm0, $0xb8;
	[tilespmem:$0xC080] =	vst v63  }
0x66: {  	_ = 	snop  }
0x67: {  	[tilespmem:s16], [sflag:$0x1] =	stream.indirect_vreg.gather [hbm4b:s4+s3], $0x80, v4, vm1, $0xb8;
	[tilespmem:$0xC080] =	vst v63  }
0x68: {  	_ = 	snop  }
0x69: {  	[tilespmem:s17], [sflag:$0x1] =	stream.indirect_vreg.gather [hbm4b:s2+s3], $0x80, v3, vm0, $0xb8;
	[tilespmem:$0xC080] =	vst v63  }
0x6a: {  	_ = 	snop  }
0x6b: {  	[tilespmem:s18], [sflag:$0x1] =	stream.indirect_vreg.gather [hbm4b:s4+s3], $0x80, v3, vm1, $0xb8;
	[tilespmem:$0xC080] =	vst v63  }
0x6c: {  	v3 =	vld [tilespmem:$0x50];
	_ =	sdelay $0x4  }
0x6d: {  	v61 =	vshrl.u32 v3, $0x3  }
0x6e: {  	v4 =	vmul.u32 $0x18, v61  }
0x6f: {  	v3 =	vand.u32 $0x7, v3  }
0x70: {  	v3 =	vor.u32 v3, v4  }
0x71: {  	v4 =	vperm.xlane v3, v0;
	_ =	sdelay $0x1  }
0x72: {  	v4 =	vadd.s32 v1, v4;
	_ =	sdelay $0x1  }
0x73: {  	v3 =	vperm.xlane v3, v2;
	_ =	sdelay $0x1  }
0x74: {  	v3 =	vadd.s32 v1, v3  }
0x75: {  	[tilespmem:s19], [sflag:$0x1] =	stream.indirect_vreg.gather [hbm4b:s2+s3], $0x80, v4, vm0, $0xb8;
	[tilespmem:$0xC080] =	vst v63  }
0x76: {  	_ = 	snop  }
0x77: {  	[tilespmem:s20], [sflag:$0x1] =	stream.indirect_vreg.gather [hbm4b:s4+s3], $0x80, v4, vm1, $0xb8;
	[tilespmem:$0xC080] =	vst v63  }
0x78: {  	_ = 	snop  }
0x79: {  	[tilespmem:s21], [sflag:$0x1] =	stream.indirect_vreg.gather [hbm4b:s2+s3], $0x80, v3, vm0, $0xb8;
	[tilespmem:$0xC080] =	vst v63  }
0x7a: {  	_ = 	snop  }
0x7b: {  	[tilespmem:s22], [sflag:$0x1] =	stream.indirect_vreg.gather [hbm4b:s4+s3], $0x80, v3, vm1, $0xb8;
	[tilespmem:$0xC080] =	vst v63  }
0x7c: {  	v3 =	vld [tilespmem:$0x60];
	_ =	sdelay $0x4  }
0x7d: {  	v62 =	vshrl.u32 v3, $0x3  }
0x7e: {  	v4 =	vmul.u32 $0x18, v62  }
0x7f: {  	v3 =	vand.u32 $0x7, v3  }
0x80: {  	v3 =	vor.u32 v3, v4  }
0x81: {  	v4 =	vperm.xlane v3, v0;
	_ =	sdelay $0x1  }
0x82: {  	v4 =	vadd.s32 v1, v4;
	_ =	sdelay $0x1  }
0x83: {  	v3 =	vperm.xlane v3, v2;
	_ =	sdelay $0x1  }
0x84: {  	v3 =	vadd.s32 v1, v3  }
0x85: {  	[tilespmem:s23], [sflag:$0x1] =	stream.indirect_vreg.gather [hbm4b:s2+s3], $0x80, v4, vm0, $0xb8;
	[tilespmem:$0xC080] =	vst v63  }
0x86: {  	_ = 	snop  }
0x87: {  	[tilespmem:s24], [sflag:$0x1] =	stream.indirect_vreg.gather [hbm4b:s4+s3], $0x80, v4, vm1, $0xb8;
	[tilespmem:$0xC080] =	vst v63  }
0x88: {  	_ = 	snop  }
0x89: {  	[tilespmem:s25], [sflag:$0x1] =	stream.indirect_vreg.gather [hbm4b:s2+s3], $0x80, v3, vm0, $0xb8;
	[tilespmem:$0xC080] =	vst v63  }
0x8a: {  	_ = 	snop  }
0x8b: {  	[tilespmem:s26], [sflag:$0x1] =	stream.indirect_vreg.gather [hbm4b:s4+s3], $0x80, v3, vm1, $0xb8;
	[tilespmem:$0xC080] =	vst v63  }
0x8c: {  	v3 =	vld [tilespmem:$0x70];
	_ =	sdelay $0x4  }
0x8d: {  	v63 =	vshrl.u32 v3, $0x3  }
0x8e: {  	v4 =	vmul.u32 $0x18, v63  }
0x8f: {  	v3 =	vand.u32 $0x7, v3  }
0x90: {  	v3 =	vor.u32 v3, v4  }
0x91: {  	v4 =	vperm.xlane v3, v0;
	_ =	sdelay $0x1  }
0x92: {  	v4 =	vadd.s32 v1, v4;
	_ =	sdelay $0x1  }
0x93: {  	v3 =	vperm.xlane v3, v2;
	_ =	sdelay $0x1  }
0x94: {  	v3 =	vadd.s32 v1, v3  }
0x95: {  	[tilespmem:s28], [sflag:$0x1] =	stream.indirect_vreg.gather [hbm4b:s2+s3], $0x80, v4, vm0, $0xb8;
	[tilespmem:$0xC080] =	vst v63  }
0x96: {  	_ = 	snop  }
0x97: {  	[tilespmem:s29], [sflag:$0x1] =	stream.indirect_vreg.gather [hbm4b:s4+s3], $0x80, v4, vm1, $0xb8;
	[tilespmem:$0xC080] =	vst v63  }
0x98: {  	_ = 	snop  }
0x99: {  	[tilespmem:s30], [sflag:$0x1] =	stream.indirect_vreg.gather [hbm4b:s2+s3], $0x80, v3, vm0, $0xb8;
	[tilespmem:$0xC080] =	vst v63  }
0x9a: {  	_ = 	snop  }
0x9b: {  	[tilespmem:s31], [sflag:$0x1] =	stream.indirect_vreg.gather [hbm4b:s4+s3], $0x80, v3, vm1, $0xb8;
	[tilespmem:$0xC080] =	vst v63  }
0x9c: {  	_ =	swait.ge [sflag:s1], $0xC000  }
0x9d: {  	p0 =	sne.s32 s5, $0x1;
	[sflag:s1] =	ssyncset.done $0x0  }
.Ltmp0:
0x9e: {  	s8 =	rddreg [dreg:$0x5];
	[sflag:s1] =	ssyncadd.s32 $0xFFFF4000;
	(pc) =	sbr.rel @p0 .LBB2_1-.Ltmp0, $4  }
0x9f: {  	[hbm4b:s8+s3] =	stream.linear.scatter [tilespmem:s7], [sflag:$0x2], $0xC000, $0x38;
	[tilespmem:$0xC080] =	vst v63  }
0xa0: {  	_ =	swait.ge [sflag:s6], $0xC000  }
0xa1: {  	[sflag:s6] =	ssyncset.done $0x0  }
0xa2: {  	s5 =	sadd.s32 $0xFFFFFFFF, s5;
	[sflag:s6] =	ssyncadd.s32 $0xFFFF4000  }
0xa3: {  	_ =	sfence.sel $0x180000  }
0xa4: {  	[bflag:$0x0] =	sbarrier.arrive $0xFFFF  }
0xa5: {  	_ =	strace $0x90000047  }
0xa6: {  	s0 =	stileid.u32;
	[bflag:$0x2] =	sbarrier.arrive $0xFFFF  }
0xa7: {  	p0 =	sne.s32 s0, $0x0;
	s0 =	rddreg [dreg:$0x3]  }
0xa8: {  	s0 =	sadd.s32 @!p0 $0x100000, s0  }
0xa9: {  	[sflag:s0] =	ssyncadd.tile.s32 @!p0 $0x1;
	_ =	shalt  }
.Lfunc_end2:
_tile_overlayer_lowered:
.L_overlay_start_2:
0xaa: {  	(tag) =	ssettag $0x2  }
0xab: {  	s0 =	rddreg [dreg:$0x0];
	s2 =	stileid.u32  }
0xac: {  	s1 =	rddreg [dreg:$0x1];
	p0 =	sne.s32 s2, $0x0  }
0xad: {  	s3 =	rddreg [dreg:$0x2];
	[bflag:$0x3] =	sbarrier.arrive $0xFFFF;
	s2 =	simm.s32 @!p0 $0x1C02  }
0xae: {  	[timem:s3], [sflag:s2] =	dma.local @!p0 [hbm:s0], s1  }
0xaf: {  	s0 =	simm.s32 @!p0 $0x2  }
0xb0: {  	_ =	swait.ge @!p0 [sflag:s0], s1  }
0xb1: {  	s1 =	ssub.s32 @!p0 $0x0, s1;
	[sflag:s0] =	ssyncset.done @!p0 $0x0  }
0xb2: {  	[sflag:s0] =	ssyncadd.s32 @!p0 s1  }
0xb3: {  	[bflag:$0x3] =	sbarrier.arrive $0xFFFF  }
0xb4: {  	_ =	shalt  }

</sc_bundles>
